<compile_context>
chip_gen: v7x
topology: tpu7x:2x2x1
jax: 0.10.2.dev20260603
libtpu: 0.0.44.dev20260713+nightly
codegen_flags: <defaults>
</compile_context>

<pallas_src>
import jax
import jax.numpy as jnp
from jax import lax
from jax.experimental import pallas as pl
from jax.experimental.pallas import tpu as pltpu
from jax.experimental.pallas import tpu_sc as plsc

B, T, D, E = 2, 2048, 1024, 8
N = B * T
NC, NS, L = 2, 16, 16
NW = NC * NS
TPW = N // NW


HALF = TPW // 2


def _sc_body(experts_hbm, gate_hbm, out_hbm, gate_v, ridx_v, stage_v, gsem,
             dsem):
    wid = lax.axis_index("s") * NC + lax.axis_index("c")
    base = wid * TPW

    pltpu.async_copy(gate_hbm.at[:, pl.ds(base, TPW)], gate_v, gsem).wait()

    lane = lax.iota(jnp.int32, L)

    @pl.loop(0, TPW // L)
    def _(c):
        bv = gate_v[0, pl.ds(c * L, L)]
        bi = jnp.zeros((L,), jnp.int32)
        for e in range(1, E):
            v = gate_v[e, pl.ds(c * L, L)]
            better = v > bv
            bv = jnp.where(better, v, bv)
            bi = jnp.where(better, jnp.full((L,), e, jnp.int32), bi)
        ridx_v[pl.ds(c * L, L)] = (base + c * L + lane) * E + bi

    for h in range(2):
        pltpu.async_copy(experts_hbm.at[ridx_v.at[pl.ds(h * HALF, HALF)]],
                         stage_v, gsem).wait()
        pltpu.async_copy(stage_v, out_hbm.at[pl.ds(base + h * HALF, HALF)],
                         dsem).wait()


@jax.jit
def _run(experts, gate):
    xt = jnp.swapaxes(experts, -1, -2).reshape(N * E, D)
    gt = jnp.swapaxes(gate.reshape(N, E), 0, 1)
    mesh = plsc.VectorSubcoreMesh(core_axis_name="c", subcore_axis_name="s")
    out = pl.kernel(
        _sc_body,
        out_type=jax.ShapeDtypeStruct((N, D), jnp.float32),
        mesh=mesh,
        compiler_params=pltpu.CompilerParams(needs_layout_passes=False),
        scratch_types=[
            pltpu.VMEM((E, TPW), jnp.float32),
            pltpu.VMEM((TPW,), jnp.int32),
            pltpu.VMEM((HALF, D), jnp.float32),
            pltpu.SemaphoreType.DMA,
            pltpu.SemaphoreType.DMA,
        ],
    )(xt, gt)
    return out.reshape(B, T, D)


def kernel(experts, gate):
    return _run(experts, gate)

# --- scband reference (transcript-rebuilt; emitter-appended) ---
"""Pipeline reference for scband-probabilistic-switch-71837622993067 (READ-ONLY COPY).

The authoritative reference and input builder live on the scoring server;
editing this copy changes nothing except your own understanding.
"""

import jax, jax.numpy as jnp
import numpy as np

def setup_inputs(seed: int = 0) -> dict:
    key = jax.random.key(seed)
    k1, k2 = jax.random.split(key)
    experts = jax.random.normal(k1, (2, 2048, 1024, 8), dtype=jnp.float32)
    gate = jax.random.normal(k2, (2, 2048, 8), dtype=jnp.float32)
    return {"experts": experts, "gate": gate}

def reference(experts, gate):
    # arg_max[b, t] = index of the selected expert for token (b, t)
    arg_max = jnp.argmax(gate, axis=-1)  # [B, T] int
    # output[b, t, :] = experts[b, t, :, arg_max[b, t]]
    idx = arg_max[:, :, None, None]  # [B, T, 1, 1]
    out = jnp.take_along_axis(experts, idx, axis=-1)  # [B, T, D, 1]
    return out[..., 0]  # [B, T, D]

if __name__ == "__main__":
    import jax
    _d = setup_inputs()
    print(jax.jit(kernel)(*tuple(_d.values())))

</pallas_src>

<mosaic_0001>
#map = affine_map<(d0, d1) -> (0, 0)>
module attributes {stable_mosaic.version = 14 : i64} {
  func.func @_sc_body(%arg0: i32, %arg1: i32, %arg2: memref<32768x1024xf32, #tpu.memory_space<hbm>>, %arg3: memref<8x4096xf32, #tpu.memory_space<hbm>>, %arg4: memref<4096x1024xf32, #tpu.memory_space<hbm>>, %arg5: memref<8x128xf32, #tpu.memory_space<vmem>>, %arg6: memref<128xi32, #tpu.memory_space<vmem>>, %arg7: memref<64x1024xf32, #tpu.memory_space<vmem>>, %arg8: memref<!tpu.dma_semaphore, #tpu.memory_space<semaphore_mem>>, %arg9: memref<!tpu.dma_semaphore, #tpu.memory_space<semaphore_mem>>) attributes {dimension_semantics = [#tpu.dimension_semantics<core_parallel>, #tpu.dimension_semantics<subcore_parallel>], iteration_bounds = array<i64: 2, 16>, scalar_prefetch = 0 : i64, scratch_operands = 5 : i64, tpu.core_type = #tpu.core_type<sc_vector_subcore>, window_params = [{transform_indices = #map}, {transform_indices = #map}, {transform_indices = #map}]} {
    %mul3A = arith.constant 2 : i32
    %mul3A_0 = arith.muli %arg1, %mul3A : i32
    %add3A = arith.addi %mul3A_0, %arg0 : i32
    %mul3A_1 = arith.constant 128 : i32
    %mul3A_2 = arith.muli %add3A, %mul3A_1 : i32
    %dma_start3A = arith.constant 0 : i32
    %dma_start3A_3 = tpu.memref_slice %arg3[%dma_start3A, %mul3A_2] : memref<8x4096xf32, #tpu.memory_space<hbm>> -> memref<8x128xf32, #tpu.memory_space<hbm>>
    %dma_start3A_4 = arith.constant 0 : i32
    %dma_start3A_5 = tpu.memref_slice %arg3[%dma_start3A_4, %mul3A_2] : memref<8x4096xf32, #tpu.memory_space<hbm>> -> memref<8x128xf32, #tpu.memory_space<hbm>>
    tpu.enqueue_dma source(%dma_start3A_5 : memref<8x128xf32, #tpu.memory_space<hbm>>) target(%arg5 : memref<8x128xf32, #tpu.memory_space<vmem>>) target_semaphore(%arg8 : memref<!tpu.dma_semaphore, #tpu.memory_space<semaphore_mem>>)
    %dma_wait3A = arith.constant 0 : i32
    %dma_wait3A_6 = tpu.memref_slice %arg3[%dma_wait3A, %mul3A_2] : memref<8x4096xf32, #tpu.memory_space<hbm>> -> memref<8x128xf32, #tpu.memory_space<hbm>>
    %dma_wait3A_7 = arith.constant 0 : i32
    %dma_wait3A_8 = tpu.memref_slice %arg3[%dma_wait3A_7, %mul3A_2] : memref<8x4096xf32, #tpu.memory_space<hbm>> -> memref<8x128xf32, #tpu.memory_space<hbm>>
    tpu.wait_dma2 semaphore(%arg8 : memref<!tpu.dma_semaphore, #tpu.memory_space<semaphore_mem>>) src(%dma_wait3A_8 : memref<8x128xf32, #tpu.memory_space<hbm>>) dst(%arg5 : memref<8x128xf32, #tpu.memory_space<vmem>>)
    %iota3A = tpu.iota {dimensions = array<i32: 0>} : vector<16xi32>
    %scan3A = arith.constant 0 : i32
    %scan3A_9 = arith.constant 8 : i32
    %scan3A_10 = arith.addi %scan3A, %scan3A_9 : i32
    %scan3A_11 = arith.constant 1 : i32
    scf.for %scan3A_53 = %scan3A to %scan3A_10 step %scan3A_11  : i32 {
      %mul3A_54 = arith.constant 1 : i32
      %mul3A_55 = arith.muli %scan3A_53, %mul3A_54 : i32
      %add3A_56 = arith.constant 0 : i32
      %add3A_57 = arith.addi %add3A_56, %mul3A_55 : i32
      %mul3A_58 = arith.constant 16 : i32
      %mul3A_59 = arith.muli %add3A_57, %mul3A_58 : i32
      %get3A = arith.constant 0 : i32
      %get3A_60 = arith.index_cast %get3A : i32 to index
      %get3A_61 = arith.index_cast %mul3A_59 : i32 to index
      %get3A_62 = tpu.vector_load %arg5[%get3A_60, %get3A_61] {strides = array<i32>} : memref<8x128xf32, #tpu.memory_space<vmem>>, vector<16xf32>,
      %broadcast_in_dim3A = arith.constant 0 : i32
      %broadcast_in_dim3A_63 = vector.broadcast %broadcast_in_dim3A : i32 to vector<16xi32>
      %mul3A_64 = arith.constant 16 : i32
      %mul3A_65 = arith.muli %add3A_57, %mul3A_64 : i32
      %get3A_66 = arith.constant 1 : i32
      %get3A_67 = arith.index_cast %get3A_66 : i32 to index
      %get3A_68 = arith.index_cast %mul3A_65 : i32 to index
      %get3A_69 = tpu.vector_load %arg5[%get3A_67, %get3A_68] {strides = array<i32>} : memref<8x128xf32, #tpu.memory_space<vmem>>, vector<16xf32>,
      %gt3A = arith.cmpf ogt, %get3A_69, %get3A_62 : vector<16xf32>
      %select_n3A = arith.select %gt3A, %get3A_69, %get3A_62 : vector<16xi1>, vector<16xf32>
      %broadcast_in_dim3A_70 = arith.constant 1 : i32
      %broadcast_in_dim3A_71 = vector.broadcast %broadcast_in_dim3A_70 : i32 to vector<16xi32>
      %select_n3A_72 = arith.select %gt3A, %broadcast_in_dim3A_71, %broadcast_in_dim3A_63 : vector<16xi1>, vector<16xi32>
      %mul3A_73 = arith.constant 16 : i32
      %mul3A_74 = arith.muli %add3A_57, %mul3A_73 : i32
      %get3A_75 = arith.constant 2 : i32
      %get3A_76 = arith.index_cast %get3A_75 : i32 to index
      %get3A_77 = arith.index_cast %mul3A_74 : i32 to index
      %get3A_78 = tpu.vector_load %arg5[%get3A_76, %get3A_77] {strides = array<i32>} : memref<8x128xf32, #tpu.memory_space<vmem>>, vector<16xf32>,
      %gt3A_79 = arith.cmpf ogt, %get3A_78, %select_n3A : vector<16xf32>
      %select_n3A_80 = arith.select %gt3A_79, %get3A_78, %select_n3A : vector<16xi1>, vector<16xf32>
      %broadcast_in_dim3A_81 = arith.constant 2 : i32
      %broadcast_in_dim3A_82 = vector.broadcast %broadcast_in_dim3A_81 : i32 to vector<16xi32>
      %select_n3A_83 = arith.select %gt3A_79, %broadcast_in_dim3A_82, %select_n3A_72 : vector<16xi1>, vector<16xi32>
      %mul3A_84 = arith.constant 16 : i32
      %mul3A_85 = arith.muli %add3A_57, %mul3A_84 : i32
      %get3A_86 = arith.constant 3 : i32
      %get3A_87 = arith.index_cast %get3A_86 : i32 to index
      %get3A_88 = arith.index_cast %mul3A_85 : i32 to index
      %get3A_89 = tpu.vector_load %arg5[%get3A_87, %get3A_88] {strides = array<i32>} : memref<8x128xf32, #tpu.memory_space<vmem>>, vector<16xf32>,
      %gt3A_90 = arith.cmpf ogt, %get3A_89, %select_n3A_80 : vector<16xf32>
      %select_n3A_91 = arith.select %gt3A_90, %get3A_89, %select_n3A_80 : vector<16xi1>, vector<16xf32>
      %broadcast_in_dim3A_92 = arith.constant 3 : i32
      %broadcast_in_dim3A_93 = vector.broadcast %broadcast_in_dim3A_92 : i32 to vector<16xi32>
      %select_n3A_94 = arith.select %gt3A_90, %broadcast_in_dim3A_93, %select_n3A_83 : vector<16xi1>, vector<16xi32>
      %mul3A_95 = arith.constant 16 : i32
      %mul3A_96 = arith.muli %add3A_57, %mul3A_95 : i32
      %get3A_97 = arith.constant 4 : i32
      %get3A_98 = arith.index_cast %get3A_97 : i32 to index
      %get3A_99 = arith.index_cast %mul3A_96 : i32 to index
      %get3A_100 = tpu.vector_load %arg5[%get3A_98, %get3A_99] {strides = array<i32>} : memref<8x128xf32, #tpu.memory_space<vmem>>, vector<16xf32>,
      %gt3A_101 = arith.cmpf ogt, %get3A_100, %select_n3A_91 : vector<16xf32>
      %select_n3A_102 = arith.select %gt3A_101, %get3A_100, %select_n3A_91 : vector<16xi1>, vector<16xf32>
      %broadcast_in_dim3A_103 = arith.constant 4 : i32
      %broadcast_in_dim3A_104 = vector.broadcast %broadcast_in_dim3A_103 : i32 to vector<16xi32>
      %select_n3A_105 = arith.select %gt3A_101, %broadcast_in_dim3A_104, %select_n3A_94 : vector<16xi1>, vector<16xi32>
      %mul3A_106 = arith.constant 16 : i32
      %mul3A_107 = arith.muli %add3A_57, %mul3A_106 : i32
      %get3A_108 = arith.constant 5 : i32
      %get3A_109 = arith.index_cast %get3A_108 : i32 to index
      %get3A_110 = arith.index_cast %mul3A_107 : i32 to index
      %get3A_111 = tpu.vector_load %arg5[%get3A_109, %get3A_110] {strides = array<i32>} : memref<8x128xf32, #tpu.memory_space<vmem>>, vector<16xf32>,
      %gt3A_112 = arith.cmpf ogt, %get3A_111, %select_n3A_102 : vector<16xf32>
      %select_n3A_113 = arith.select %gt3A_112, %get3A_111, %select_n3A_102 : vector<16xi1>, vector<16xf32>
      %broadcast_in_dim3A_114 = arith.constant 5 : i32
      %broadcast_in_dim3A_115 = vector.broadcast %broadcast_in_dim3A_114 : i32 to vector<16xi32>
      %select_n3A_116 = arith.select %gt3A_112, %broadcast_in_dim3A_115, %select_n3A_105 : vector<16xi1>, vector<16xi32>
      %mul3A_117 = arith.constant 16 : i32
      %mul3A_118 = arith.muli %add3A_57, %mul3A_117 : i32
      %get3A_119 = arith.constant 6 : i32
      %get3A_120 = arith.index_cast %get3A_119 : i32 to index
      %get3A_121 = arith.index_cast %mul3A_118 : i32 to index
      %get3A_122 = tpu.vector_load %arg5[%get3A_120, %get3A_121] {strides = array<i32>} : memref<8x128xf32, #tpu.memory_space<vmem>>, vector<16xf32>,
      %gt3A_123 = arith.cmpf ogt, %get3A_122, %select_n3A_113 : vector<16xf32>
      %select_n3A_124 = arith.select %gt3A_123, %get3A_122, %select_n3A_113 : vector<16xi1>, vector<16xf32>
      %broadcast_in_dim3A_125 = arith.constant 6 : i32
      %broadcast_in_dim3A_126 = vector.broadcast %broadcast_in_dim3A_125 : i32 to vector<16xi32>
      %select_n3A_127 = arith.select %gt3A_123, %broadcast_in_dim3A_126, %select_n3A_116 : vector<16xi1>, vector<16xi32>
      %mul3A_128 = arith.constant 16 : i32
      %mul3A_129 = arith.muli %add3A_57, %mul3A_128 : i32
      %get3A_130 = arith.constant 7 : i32
      %get3A_131 = arith.index_cast %get3A_130 : i32 to index
      %get3A_132 = arith.index_cast %mul3A_129 : i32 to index
      %get3A_133 = tpu.vector_load %arg5[%get3A_131, %get3A_132] {strides = array<i32>} : memref<8x128xf32, #tpu.memory_space<vmem>>, vector<16xf32>,
      %gt3A_134 = arith.cmpf ogt, %get3A_133, %select_n3A_124 : vector<16xf32>
      %select_n3A_135 = arith.select %gt3A_134, %get3A_133, %select_n3A_124 : vector<16xi1>, vector<16xf32>
      %broadcast_in_dim3A_136 = arith.constant 7 : i32
      %broadcast_in_dim3A_137 = vector.broadcast %broadcast_in_dim3A_136 : i32 to vector<16xi32>
      %select_n3A_138 = arith.select %gt3A_134, %broadcast_in_dim3A_137, %select_n3A_127 : vector<16xi1>, vector<16xi32>
      %mul3A_139 = arith.constant 16 : i32
      %mul3A_140 = arith.muli %add3A_57, %mul3A_139 : i32
      %add3A_141 = arith.addi %mul3A_2, %mul3A_140 : i32
      %add3A_142 = vector.broadcast %add3A_141 : i32 to vector<16xi32>
      %add3A_143 = arith.addi %add3A_142, %iota3A : vector<16xi32>
      %mul3A_144 = arith.constant 8 : i32
      %mul3A_145 = vector.broadcast %mul3A_144 : i32 to vector<16xi32>
      %mul3A_146 = arith.muli %add3A_143, %mul3A_145 : vector<16xi32>
      %add3A_147 = arith.addi %mul3A_146, %select_n3A_138 : vector<16xi32>
      %mul3A_148 = arith.constant 16 : i32
      %mul3A_149 = arith.muli %add3A_57, %mul3A_148 : i32
      %swap3A = arith.index_cast %mul3A_149 : i32 to index
      %swap3A_150 = tpu.vector_load %arg6[%swap3A] {strides = array<i32>} : memref<128xi32, #tpu.memory_space<vmem>>, vector<16xi32>,
      tpu.vector_store %arg6[%swap3A], %add3A_147 {strides = array<i32>} : memref<128xi32, #tpu.memory_space<vmem>>, vector<16xi32>,
    }
    %scan3A_12 = arith.constant 8 : i32
    %dma_start3A_13 = arith.constant 0 : i32
    %dma_start3A_14 = tpu.memref_slice %arg6[%dma_start3A_13] : memref<128xi32, #tpu.memory_space<vmem>> -> memref<64xi32, #tpu.memory_space<vmem>>
    %dma_start3A_15 = arith.constant 0 : i32
    %dma_start3A_16 = arith.constant 0 : i32
    %dma_start3A_17 = tpu.memref_slice %arg2[%dma_start3A_15, %dma_start3A_16] : memref<32768x1024xf32, #tpu.memory_space<hbm>> -> memref<32768x1024xf32, #tpu.memory_space<hbm>>
    tpu.enqueue_indirect_dma source(%dma_start3A_17 : memref<32768x1024xf32, #tpu.memory_space<hbm>>) target(%arg7 : memref<64x1024xf32, #tpu.memory_space<vmem>>) offsets(%dma_start3A_14 : memref<64xi32, #tpu.memory_space<vmem>>) semaphore(%arg8 : memref<!tpu.dma_semaphore, #tpu.memory_space<semaphore_mem>>)
    %dma_wait3A_18 = arith.constant 0 : i32
    %dma_wait3A_19 = tpu.memref_slice %arg6[%dma_wait3A_18] : memref<128xi32, #tpu.memory_space<vmem>> -> memref<64xi32, #tpu.memory_space<vmem>>
    %dma_wait3A_20 = arith.constant 0 : i32
    %dma_wait3A_21 = arith.constant 0 : i32
    %dma_wait3A_22 = tpu.memref_slice %arg2[%dma_wait3A_20, %dma_wait3A_21] : memref<32768x1024xf32, #tpu.memory_space<hbm>> -> memref<32768x1024xf32, #tpu.memory_space<hbm>>
    tpu.wait_indirect_dma semaphore(%arg8 : memref<!tpu.dma_semaphore, #tpu.memory_space<semaphore_mem>>) src(%dma_wait3A_22 : memref<32768x1024xf32, #tpu.memory_space<hbm>>) dst(%arg7 : memref<64x1024xf32, #tpu.memory_space<vmem>>)
    %add3A_23 = arith.constant 0 : i32
    %add3A_24 = arith.addi %mul3A_2, %add3A_23 : i32
    %dma_start3A_25 = arith.constant 0 : i32
    %dma_start3A_26 = tpu.memref_slice %arg4[%add3A_24, %dma_start3A_25] : memref<4096x1024xf32, #tpu.memory_space<hbm>> -> memref<64x1024xf32, #tpu.memory_space<hbm>>
    %dma_start3A_27 = arith.constant 0 : i32
    %dma_start3A_28 = tpu.memref_slice %arg4[%add3A_24, %dma_start3A_27] : memref<4096x1024xf32, #tpu.memory_space<hbm>> -> memref<64x1024xf32, #tpu.memory_space<hbm>>
    tpu.enqueue_dma source(%arg7 : memref<64x1024xf32, #tpu.memory_space<vmem>>) target(%dma_start3A_28 : memref<64x1024xf32, #tpu.memory_space<hbm>>) target_semaphore(%arg9 : memref<!tpu.dma_semaphore, #tpu.memory_space<semaphore_mem>>)
    %dma_wait3A_29 = arith.constant 0 : i32
    %dma_wait3A_30 = tpu.memref_slice %arg4[%add3A_24, %dma_wait3A_29] : memref<4096x1024xf32, #tpu.memory_space<hbm>> -> memref<64x1024xf32, #tpu.memory_space<hbm>>
    %dma_wait3A_31 = arith.constant 0 : i32
    %dma_wait3A_32 = tpu.memref_slice %arg4[%add3A_24, %dma_wait3A_31] : memref<4096x1024xf32, #tpu.memory_space<hbm>> -> memref<64x1024xf32, #tpu.memory_space<hbm>>
    tpu.wait_dma2 semaphore(%arg9 : memref<!tpu.dma_semaphore, #tpu.memory_space<semaphore_mem>>) src(%arg7 : memref<64x1024xf32, #tpu.memory_space<vmem>>) dst(%dma_wait3A_32 : memref<64x1024xf32, #tpu.memory_space<hbm>>)
    %dma_start3A_33 = arith.constant 64 : i32
    %dma_start3A_34 = tpu.memref_slice %arg6[%dma_start3A_33] : memref<128xi32, #tpu.memory_space<vmem>> -> memref<64xi32, #tpu.memory_space<vmem>>
    %dma_start3A_35 = arith.constant 0 : i32
    %dma_start3A_36 = arith.constant 0 : i32
    %dma_start3A_37 = tpu.memref_slice %arg2[%dma_start3A_35, %dma_start3A_36] : memref<32768x1024xf32, #tpu.memory_space<hbm>> -> memref<32768x1024xf32, #tpu.memory_space<hbm>>
    tpu.enqueue_indirect_dma source(%dma_start3A_37 : memref<32768x1024xf32, #tpu.memory_space<hbm>>) target(%arg7 : memref<64x1024xf32, #tpu.memory_space<vmem>>) offsets(%dma_start3A_34 : memref<64xi32, #tpu.memory_space<vmem>>) semaphore(%arg8 : memref<!tpu.dma_semaphore, #tpu.memory_space<semaphore_mem>>)
    %dma_wait3A_38 = arith.constant 64 : i32
    %dma_wait3A_39 = tpu.memref_slice %arg6[%dma_wait3A_38] : memref<128xi32, #tpu.memory_space<vmem>> -> memref<64xi32, #tpu.memory_space<vmem>>
    %dma_wait3A_40 = arith.constant 0 : i32
    %dma_wait3A_41 = arith.constant 0 : i32
    %dma_wait3A_42 = tpu.memref_slice %arg2[%dma_wait3A_40, %dma_wait3A_41] : memref<32768x1024xf32, #tpu.memory_space<hbm>> -> memref<32768x1024xf32, #tpu.memory_space<hbm>>
    tpu.wait_indirect_dma semaphore(%arg8 : memref<!tpu.dma_semaphore, #tpu.memory_space<semaphore_mem>>) src(%dma_wait3A_42 : memref<32768x1024xf32, #tpu.memory_space<hbm>>) dst(%arg7 : memref<64x1024xf32, #tpu.memory_space<vmem>>)
    %add3A_43 = arith.constant 64 : i32
    %add3A_44 = arith.addi %mul3A_2, %add3A_43 : i32
    %dma_start3A_45 = arith.constant 0 : i32
    %dma_start3A_46 = tpu.memref_slice %arg4[%add3A_44, %dma_start3A_45] : memref<4096x1024xf32, #tpu.memory_space<hbm>> -> memref<64x1024xf32, #tpu.memory_space<hbm>>
    %dma_start3A_47 = arith.constant 0 : i32
    %dma_start3A_48 = tpu.memref_slice %arg4[%add3A_44, %dma_start3A_47] : memref<4096x1024xf32, #tpu.memory_space<hbm>> -> memref<64x1024xf32, #tpu.memory_space<hbm>>
    tpu.enqueue_dma source(%arg7 : memref<64x1024xf32, #tpu.memory_space<vmem>>) target(%dma_start3A_48 : memref<64x1024xf32, #tpu.memory_space<hbm>>) target_semaphore(%arg9 : memref<!tpu.dma_semaphore, #tpu.memory_space<semaphore_mem>>)
    %dma_wait3A_49 = arith.constant 0 : i32
    %dma_wait3A_50 = tpu.memref_slice %arg4[%add3A_44, %dma_wait3A_49] : memref<4096x1024xf32, #tpu.memory_space<hbm>> -> memref<64x1024xf32, #tpu.memory_space<hbm>>
    %dma_wait3A_51 = arith.constant 0 : i32
    %dma_wait3A_52 = tpu.memref_slice %arg4[%add3A_44, %dma_wait3A_51] : memref<4096x1024xf32, #tpu.memory_space<hbm>> -> memref<64x1024xf32, #tpu.memory_space<hbm>>
    tpu.wait_dma2 semaphore(%arg9 : memref<!tpu.dma_semaphore, #tpu.memory_space<semaphore_mem>>) src(%arg7 : memref<64x1024xf32, #tpu.memory_space<vmem>>) dst(%dma_wait3A_52 : memref<64x1024xf32, #tpu.memory_space<hbm>>)
    return
  }
}

</mosaic_0001>

<sc_bundles>
// kernel: _run.3.cloned.1.call-start
scs
__scs_entry_jumppad:
0x0: {  	(pc) =	sbr.rel $0x88, $3  }
0x1: {  	(tag) =	ssettag $0x0;
	lr =	simm.s32 $0x1  }
0x2: {  	[smem:$0x3F9F] =	sst lr;
	_ =	strace $0xD0000000  }
0x3: {  	_ = 	snop  }
0x4: {  	_ = 	snop  }
0x5: {  	_ = 	snop  }
0x6: {  	_ = 	snop  }
0x7: {  	_ = 	snop  }
__scs_overlays_trampoline_lowered:
0x8: {  	[smem:$0x3FAE] =	sst s0  }
0x9: {  	[smem:$0x3FAF] =	sst s1  }
0xa: {  	[smem:$0x3FB0] =	sst s2  }
0xb: {  	[smem:$0x3FB1] =	sst s3  }
0xc: {  	[smem:$0x3FB2] =	sst s4  }
0xd: {  	[smem:$0x3FB3] =	sst s5  }
0xe: {  	[smem:$0x3FB4] =	sst s6  }
0xf: {  	[smem:$0x3FB5] =	sst s7  }
0x10: {  	[smem:$0x3FB6] =	sst s8  }
0x11: {  	[smem:$0x3FB7] =	sst s9;
	s0 =	simm.s32 @!p0 $0x0  }
0x12: {  	s1 =	sld [smem:$0x3F9D];
	s0 =	simm.s32 @p0 $0x1  }
0x13: {  	[smem:$0x3FB8] =	sst s0;
	s0 =	simm.s32 @!p1 $0x0  }
0x14: {  	s2 =	sld [smem:$0x3F9C];
	s0 =	simm.s32 @p1 $0x1  }
0x15: {  	[smem:$0x3FB9] =	sst s0;
	s0 =	simm.s32 @!p2 $0x0  }
0x16: {  	s3 =	sld [smem:$0x3FDB];
	s0 =	simm.s32 @p2 $0x1  }
0x17: {  	s4 =	simm.s32 $0x1BF5;
	[smem:$0x3FBB] =	sst s0  }
0x18: {  	s0 =	sld [smem:$0x3F9E];
	_ =	swait.ge [sflag:s4], $0x0  }
0x19: {  	s7 =	sld [smem:$0x3F9F]  }
0x1a: {  	s8 =	sadd.s32 $0xFFFFE003, lr  }
0x1b: {  	s9 =	sadd.s32 $0xFFFFFEF7, lr;
	s5 =	simm.s32 $0xFFFFFFFF;
	p2 =	slt.u32 s8, $0xFFFFF086  }
0x1c: {  	p1 =	slt.u32 s9, $0xF7A;
	s5 =	simm.s32 @!p2 $0x0  }
0x1d: {  	s5 =	simm.s32 @p1 $0x1;
	p0 =	seq.s32 s7, s2  }
0x1e: {  	s7 =	smul.u32 @!p0 $0xF7A, s2;
	p2 =	seq.s32 @!p0 s5, $0x0  }
0x1f: {  	s9 =	smul.u32 $0xF7A, s1;
	s8 =	simm.s32 @!p0 $0x1BF5;
	p2 =	por !p2, p0  }
0x20: {  	[sflag:s8] =	ssyncset.s32 @!p0 $0xFFFFF086;
	s6 =	sadd.s32 @!p0 s3, s7;
	s7 =	simm.s32 @!p0 $0x108  }
0x21: {  	s3 =	sadd.s32 s3, s9;
	s6 =	sadd.s32 @!p0 $0x88, s6;
	s7 =	simm.s32 @p2 $0x1082  }
0x22: {  	[simem:s7], [sflag:s8] =	dma.local @!p0 [hbm:s6], $0xF7A  }
0x23: {  	s9 =	sor.u32 $0xD0000000, s2;
	s6 =	simm.s32 $0x108;
	_ =	swait.ge @!p0 [sflag:s8], $0x0  }
0x24: {  	s3 =	sadd.s32 $0x88, s3;
	s6 =	simm.s32 @!p1 $0x1082;
	[sflag:s4] =	ssyncset.s32 $0xFFFFF086  }
0x25: {  	[simem:s6], [sflag:s4] =	dma.local [hbm:s3], $0xF7A  }
0x26: {  	[smem:$0x3F9F] =	sst s1;
	(tag) =	ssettag s2;
	_ =	strace s9  }
0x27: {  	s1 =	sld [smem:$0x3FAF]  }
0x28: {  	s2 =	sld [smem:$0x3FB0]  }
0x29: {  	s4 =	sld [smem:$0x3FB2]  }
0x2a: {  	p0 =	seq.s32 s5, $0x0;
	s5 =	sld [smem:$0x3FB3]  }
0x2b: {  	s6 =	sld [smem:$0x3FB4]  }
0x2c: {  	s7 =	sld [smem:$0x3FB5]  }
0x2d: {  	s3 =	simm.s32 $0x108;
	s8 =	sld [smem:$0x3FB6]  }
0x2e: {  	s3 =	simm.s32 @!p0 $0x1082;
	s9 =	sld [smem:$0x3FB7]  }
0x2f: {  	lr =	sadd.s32 s0, s3;
	s0 =	sld [smem:$0x3FAE]  }
0x30: {  	s3 =	sld [smem:$0x3FB1]  }
0x31: {  	[smem:$0x3FBA] =	sst s10  }
0x32: {  	s10 =	sld [smem:$0x3FB8];
	_ =	sdelay $0x3  }
0x33: {  	p0 =	seq.s32 s10, $0x1;
	s10 =	sld [smem:$0x3FBA];
	_ =	sdelay $0x3  }
0x34: {  	[smem:$0x3FBA] =	sst s10  }
0x35: {  	s10 =	sld [smem:$0x3FB9];
	_ =	sdelay $0x3  }
0x36: {  	p1 =	seq.s32 s10, $0x1;
	s10 =	sld [smem:$0x3FBA];
	_ =	sdelay $0x3  }
0x37: {  	[smem:$0x3FBA] =	sst s10  }
0x38: {  	s10 =	sld [smem:$0x3FBB]  }
0x39: {  	_ = 	snop;
	(pc) =	sbr.ind lr, $3  }
0x3a: {  	_ = 	snop  }
0x3b: {  	_ = 	snop  }
0x3c: {  	p2 =	seq.s32 s10, $0x1;
	s10 =	sld [smem:$0x3FBA]  }
0x3d: {  	_ =	shalt  }
0x3e: {  	_ =	shalt  }
0x3f: {  	_ =	shalt  }
0x40: {  	_ =	shalt  }
0x41: {  	_ =	shalt  }
0x42: {  	_ =	shalt  }
0x43: {  	_ =	shalt  }
0x44: {  	_ =	shalt  }
0x45: {  	_ =	shalt  }
0x46: {  	_ =	shalt  }
0x47: {  	_ =	shalt  }
0x48: {  	_ =	shalt  }
0x49: {  	_ =	shalt  }
0x4a: {  	_ =	shalt  }
0x4b: {  	_ =	shalt  }
0x4c: {  	_ =	shalt  }
0x4d: {  	_ =	shalt  }
0x4e: {  	_ =	shalt  }
0x4f: {  	_ =	shalt  }
0x50: {  	_ =	shalt  }
0x51: {  	_ =	shalt  }
0x52: {  	_ =	shalt  }
0x53: {  	_ =	shalt  }
0x54: {  	_ =	shalt  }
0x55: {  	_ =	shalt  }
0x56: {  	_ =	shalt  }
0x57: {  	_ =	shalt  }
0x58: {  	_ =	shalt  }
0x59: {  	_ =	shalt  }
0x5a: {  	_ =	shalt  }
0x5b: {  	_ =	shalt  }
0x5c: {  	_ =	shalt  }
0x5d: {  	_ =	shalt  }
0x5e: {  	_ =	shalt  }
0x5f: {  	_ =	shalt  }
0x60: {  	_ =	shalt  }
0x61: {  	_ =	shalt  }
0x62: {  	_ =	shalt  }
0x63: {  	_ =	shalt  }
0x64: {  	_ =	shalt  }
0x65: {  	_ =	shalt  }
0x66: {  	_ =	shalt  }
0x67: {  	_ =	shalt  }
0x68: {  	_ =	shalt  }
0x69: {  	_ =	shalt  }
0x6a: {  	_ =	shalt  }
0x6b: {  	_ =	shalt  }
0x6c: {  	_ =	shalt  }
0x6d: {  	_ =	shalt  }
0x6e: {  	_ =	shalt  }
0x6f: {  	_ =	shalt  }
0x70: {  	_ =	shalt  }
0x71: {  	_ =	shalt  }
0x72: {  	_ =	shalt  }
0x73: {  	_ =	shalt  }
0x74: {  	_ =	shalt  }
0x75: {  	_ =	shalt  }
0x76: {  	_ =	shalt  }
0x77: {  	_ =	shalt  }
0x78: {  	_ =	shalt  }
0x79: {  	_ =	shalt  }
0x7a: {  	_ =	shalt  }
0x7b: {  	_ =	shalt  }
0x7c: {  	_ =	shalt  }
0x7d: {  	_ =	shalt  }
0x7e: {  	_ =	shalt  }
0x7f: {  	_ =	shalt  }
0x80: {  	_ =	shalt  }
0x81: {  	_ =	shalt  }
0x82: {  	_ =	shalt  }
0x83: {  	_ =	shalt  }
0x84: {  	_ =	shalt  }
0x85: {  	_ =	shalt  }
0x86: {  	_ =	shalt  }
0x87: {  	_ =	shalt  }
.Lfunc_end0:
.L_simem_size_0:
called_computation_lowered:
.L_overlay_start_0:
0x88: {  	s2 =	sld [smem:$0x3FD9]  }
0x89: {  	s3 =	sld [smem:$0x3FFE];
	_ =	sdelay $0x1  }
0x8a: {  	s1 =	srdreg.scid  }
0x8b: {  	s0 =	sand.u32 $0x1, s1  }
0x8c: {  	s18 =	sshll.u32 s0, $0xA;
	s2 =	sadd.s32 s3, s2  }
0x8d: {  	s2 =	sadd.s32 s2, s18  }
0x8e: {  	[smem:$0x3FC6] =	sst s2  }
0x8f: {  	_ = 	snop  }
0x90: {  	s2 =	sld [smem:$0x3FC9]  }
0x91: {  	s19 =	sld [smem:$0x3FC8]  }
0x92: {  	s4 =	sld [smem:$0x3FD0];
	(tm) =	ssettm $0x1  }
0x93: {  	s5 =	sld [smem:$0x3FFB];
	_ =	sdelay $0x3  }
0x94: {  	_ =	strace s5  }
0x95: {  	s5 =	sld [smem:$0x3FFC];
	_ =	sdelay $0x3  }
0x96: {  	_ =	strace s5  }
0x97: {  	s5 =	sld [smem:$0x3FFD];
	_ =	sdelay $0x3  }
0x98: {  	_ =	strace s5  }
0x99: {  	_ =	strace $0x8FFFFFFF  }
0x9a: {  	s20 =	sld [smem:$0x3FDB];
	_ =	sdelay $0x1  }
0x9b: {  	s6 =	simm.s32 $_scs_section_size  }
0x9c: {  	s7 =	simm.s32 $_size__tile_overlayer_lowered;
	s8 =	simm.s32 $_tile_overlayer_lowered  }
0x9d: {  	s23 =	simm.s32 $0x1BFF;
	s22 =	sshll.u32 s8, $0x1;
	s5 =	sadd.s32 s6, s20  }
0x9e: {  	s9 =	simm.s32 $0x0;
	s21 =	sshll.u32 s7, $0x1;
	s7 =	sadd.s32 s22, s5  }
0x9f: {  	[timem:s9], [sflag:s23] =	dma.local [hbm:s7], s21  }
0xa0: {  	_ =	swait.ge [sflag:s23], s21  }
0xa1: {  	s6 =	ssub.s32 $0x0, s21;
	[sflag:s23] =	ssyncset.done $0x0  }
0xa2: {  	[sflag:s23] =	ssyncadd.s32 s6;
	_ =	sdelay $0x1  }
0xa3: {  	s24 =	simm.s32 $0x1B8B  }
0xa4: {  	_ =	swait.ge [sflag:s24], $0x1  }
0xa5: {  	[sflag:s24] =	ssyncset.done $0x0  }
0xa6: {  	s25 =	simm.s32 $0x1B8E;
	[sflag:s24] =	ssyncadd.s32 $0xFFFFFFFF  }
0xa7: {  	s26 =	simm.s32 $execute0_lowered;
	[smem:$0x3FD2] =	sst s25  }
0xa8: {  	s6 =	sshll.u32 s26, $0x1;
	_ =	strace $0x80000046;
	[dreg:$0x1] =	wrdreg $0xFFFFFFFF  }
0xa9: {  	s28 =	simm.s32 $_size_execute0_lowered;
	s5 =	sadd.s32 s5, s6;
	[dreg:$0x0] =	wrdreg $0x0  }
0xaa: {  	s6 =	sshll.u32 s28, $0x1;
	[dreg:$0x2] =	wrdreg s5  }
0xab: {  	[dreg:$0x3] =	wrdreg s6  }
0xac: {  	[dreg:$0x4] =	wrdreg $0xC0  }
0xad: {  	_ =	task [dreg:s9], $0x5FFFF  }
0xae: {  	[dreg:$0x1] =	wrdreg $0xFFFFFFFF  }
0xaf: {  	[dreg:$0x0] =	wrdreg $0x60  }
0xb0: {  	[dreg:$0x2] =	wrdreg s2  }
0xb1: {  	[dreg:$0x3] =	wrdreg s19  }
0xb2: {  	[dreg:$0x4] =	wrdreg s4  }
0xb3: {  	[dreg:$0x5] =	wrdreg $0x9  }
0xb4: {  	_ =	task.clear_ibuf [dreg:s9], $0x6FFFF;
	_ =	strace $0x90000046  }
0xb5: {  	s29 =	simm.s32 $0x9;
	_ =	strace $0x80000048  }
0xb6: {  	_ =	swait.ge [sflag:s29], $0x1  }
0xb7: {  	[sflag:s29] =	ssyncadd.s32 $0xFFFFFFFF  }
0xb8: {  	_ =	strace $0x90000048  }
0xb9: {  	_ =	sfence  }
0xba: {  	s30 =	sld [smem:$0x0];
	_ =	sdelay $0x2  }
0xbb: {  	s31 =	sshll.u32 s1, $0xD;
	s1 =	sshrl.u32 s1, $0x2  }
0xbc: {  	s3 =	sand.u32 $0x4000, s31;
	s1 =	sadd.s32 s1, s30  }
0xbd: {  	s0 =	sor.u32 s3, s0;
	s1 =	sshll.u32 s1, $0x11  }
0xbe: {  	s0 =	sor.u32 s1, s0  }
0xbf: {  	s0 =	sadd.s32 $0x8F2B, s0  }
0xc0: {  	[sflag:s0] =	ssyncadd.remote.s32 $0x1  }
0xc1: {  	_ =	sfence.sel $0xFFFF  }
0xc2: {  	[dreg:$0x0] =	wrdreg $0xFFFFFFFF;
	(pc) =	sbr.abs _section_cstart, $3  }
0xc3: {  	[dreg:$0x1] =	wrdreg $0xFFFFFFFF  }
0xc4: {  	_ =	task.clear_ibuf [dreg:s9], $0x2FFFF;
	_ =	strace $0x9FFFFFFF  }
0xc5: {  	(tm) =	ssettm $0x7FFFFFFF  }
tec
execute0_lowered:
.L_overlay_start_1:
0x0: {  	(tag) =	ssettag $0x1  }
0x1: {  	s2 =	rddreg [dreg:$0x0]  }
0x2: {  	s0 =	rddreg [dreg:$0x1]  }
0x3: {  	s1 =	rddreg [dreg:$0x2]  }
0x4: {  	s4 =	srdreg.scid;
	s3 =	simm.s32 $0x0;
	s6 =	stileid.u32  }
0x5: {  	s28 =	simm.s32 $0x480;
	s30 =	simm.s32 $0x2C80;
	s31 =	simm.s32 $0x3480  }
0x6: {  	s14 =	simm.s32 $0x5480;
	s15 =	simm.s32 $0x5C80;
	s10 =	simm.s32 $0x6480  }
0x7: {  	s16 =	simm.s32 $0x6C80;
	s11 =	simm.s32 $0x7480;
	s17 =	simm.s32 $0x7C80  }
0x8: {  	s18 =	simm.s32 $0x8480;
	s19 =	simm.s32 $0x8C80;
	s20 =	simm.s32 $0x9480  }
0x9: {  	s21 =	simm.s32 $0x9C80;
	s22 =	simm.s32 $0xA480;
	s13 =	simm.s32 $0xAC80  }
0xa: {  	s23 =	simm.s32 $0xB480;
	s12 =	simm.s32 $0xBC80;
	s4 =	sand.u32 $0x1, s4  }
0xb: {  	s6 =	sshll.u32 s6, $0x8;
	[smem:$0x7FF] =	sst s3;
	s8 =	sadd.s32 $0x200, s2  }
0xc: {  	s9 =	sadd.s32 $0x300, s2;
	s5 =	ssub.s32 $0x2, s4;
	s4 =	sshll.u32 s4, $0x7  }
0xd: {  	_ =	strace $0x80000047;
	s7 =	sshrl.u32 s5, $0x1;
	s6 =	sor.u32 s4, s6  }
0xe: {  	s25 =	sshll.u32 s6, $0x7;
	[dreg:$0x8] =	wrdreg s6;
	s0 =	sadd.s32 s0, s6  }
0xf: {  	s24 =	ssub.s32 s5, s7;
	[dreg:$0x4] =	wrdreg s0;
	s26 =	sadd.s32 s1, s25  }
0x10: {  	v0 =	vimm.s32 $0x0;
	v4 =	vlaneseq.u32;
	s6 =	sadd.s32 $0x100, s2;
	s29 =	smax.u32 s24, $0x1;
	[dreg:$0x5] =	wrdreg s26  }
0x11: {  	vm0 =	vmmov $0xffff;
	v1 =	vmul.u32 $0x8, v4;
	v3 =	vshrl.u32 v4, $0x3;
	s5 =	simm.s32 $0x4C80;
	s0 =	sadd.s32 $0x2000, s26;
	[dreg:$0x7] =	wrdreg s29  }
0x12: {  	v2 =	vand.u32 $0x7, v4;
	v4 =	vor.u32 $0x8, v4;
	v3 =	vmul.u32 $0x8, v3;
	s24 =	simm.s32 $0x0;
	[dreg:$0x6] =	wrdreg s0;
	s0 =	simm.s32 $0x1  }
.LBB2_1:
0x13: {  	s4 =	rddreg [dreg:$0x4]  }
0x14: {  	[tilespmem:s3], [sflag:$0x1] =	stream.linear.gather [hbm4b:s4+s3], $0x400, $0x38;
	[tilespmem:$0x10480] =	vst v63  }
0x15: {  	_ =	swait.ge [sflag:s0], $0x400  }
0x16: {  	[sflag:s0] =	ssyncset.done $0x0  }
0x17: {  	s26 =	simm.s32 $0x0;
	[sflag:s0] =	ssyncadd.s32 $0xFFFFFC00  }
0x18: {  	v5 =	vld [tilespmem:s26+$0x0]  }
0x19: {  	v6 =	vld [tilespmem:s26+$0x80];
	_ =	sdelay $0x1  }
0x1a: {  	v7 =	vld [tilespmem:s26+$0x100]  }
0x1b: {  	v9 =	vld [tilespmem:s26+$0x180]  }
0x1c: {  	s7 =	simm.s32 $0x10;
	v12 =	vld [tilespmem:s26+$0x200]  }
0x1d: {  	v13 =	vld [tilespmem:s7+$0x0];
	vm1 =	vgt.f32 v6, v5  }
0x1e: {  	v14 =	vld [tilespmem:s7+$0x80];
	v5 =	vsel vm1, v6, v5  }
0x1f: {  	vm2 =	vgt.f32 v7, v5  }
0x20: {  	v10 =	vld [tilespmem:s26+$0x280];
	v5 =	vsel vm2, v7, v5  }
0x21: {  	v8 =	vld [tilespmem:s26+$0x300];
	vm4 =	vgt.f32 v9, v5  }
0x22: {  	v7 =	vld [tilespmem:s7+$0x100];
	v5 =	vsel vm4, v9, v5  }
0x23: {  	v11 =	vld [tilespmem:s26+$0x380];
	v15 =	vsel vm1, $0x1, v0;
	vm1 =	vgt.f32 v14, v13;
	vm5 =	vgt.f32 v12, v5  }
0x24: {  	s4 =	rddreg [dreg:$0x8];
	v6 =	vld [tilespmem:s7+$0x180];
	v13 =	vsel vm1, v14, v13;
	v16 =	vsel vm5, v12, v5  }
0x25: {  	v15 =	vsel vm2, $0x2, v15;
	v9 =	vmov s4;
	v5 =	vld [tilespmem:s7+$0x280];
	vm3 =	vgt.f32 v10, v16  }
0x26: {  	s25 =	simm.s32 $0x20;
	v15 =	vsel vm4, $0x3, v15;
	v12 =	vshll.u32 v9, $0x3;
	v9 =	vld [tilespmem:s7+$0x200];
	v14 =	vsel vm3, v10, v16  }
0x27: {  	s29 =	simm.s32 $0xC0;
	v15 =	vsel vm5, $0x4, v15;
	vm2 =	vgt.f32 v7, v13;
	v10 =	vld [tilespmem:s25+$0x0];
	vm5 =	vgt.f32 v8, v14  }
.LBB2_2:
0x28: {  	p0 =	sne.s32 s29, $0x1C0;
	v16 =	vld [tilespmem:s25+$0x80];
	v13 =	vsel vm2, v7, v13;
	v7 =	vsel vm3, $0x5, v15;
	v17 =	vsel vm5, v8, v14  }
0x29: {  	vm4 =	vgt.f32 v6, v13;
	v8 =	vld [tilespmem:s7+$0x300];
	v15 =	vsel vm5, $0x6, v7;
	vm3 =	vgt.f32 v11, v17  }
0x2a: {  	v12 =	vor.u32 v1, v12;
	s4 =	sadd.s32 $0x10, s4;
	v7 =	vld [tilespmem:s25+$0x100];
	v13 =	vsel vm4, v6, v13;
	v6 =	vsel vm3, $0x7, v15;
	v14 =	vmovc v5  }
.Ltmp0:
0x2b: {  	v5 =	vmov s4;
	vm5 =	vgt.f32 v9, v13;
	v11 =	vld [tilespmem:s7+$0x380];
	v15 =	vadd.s32 v12, v6;
	(pc) =	sbr.rel @p0 .LBB2_2-.Ltmp0, $4  }
0x2c: {  	v17 =	vsel vm1, $0x1, v0;
	v12 =	vshll.u32 v5, $0x3;
	v6 =	vld [tilespmem:s25+$0x180];
	v18 =	vsel vm5, v9, v13;
	[tilespmem:s26+$0x400] =	vst v15;
	s26 =	smov.u32 s7;
	s7 =	smov.u32 s25  }
0x2d: {  	v15 =	vsel vm2, $0x2, v17;
	vm1 =	vgt.f32 v16, v10;
	v5 =	vld [tilespmem:s7+$0x280];
	vm3 =	vgt.f32 v14, v18  }
0x2e: {  	s25 =	sshra.s32 s29, $0x2;
	v15 =	vsel vm4, $0x3, v15;
	v13 =	vsel vm1, v16, v10;
	v9 =	vld [tilespmem:s7+$0x200];
	v14 =	vsel vm3, v14, v18  }
0x2f: {  	s29 =	sadd.s32 $0x40, s29;
	v15 =	vsel vm5, $0x4, v15;
	v10 =	vld [tilespmem:s25+$0x0];
	vm2 =	vgt.f32 v7, v13;
	vm5 =	vgt.f32 v8, v14  }
0x30: {  	v16 =	vld [tilespmem:s25+$0x80]  }
0x31: {  	v15 =	vsel vm3, $0x5, v15;
	v8 =	vsel vm5, v8, v14  }
0x32: {  	v52 =	vld [tilespmem:s25+$0x100];
	v15 =	vsel vm5, $0x6, v15;
	vm3 =	vgt.f32 v11, v8  }
0x33: {  	v51 =	vld [tilespmem:s7+$0x300];
	v12 =	vor.u32 v1, v12;
	s4 =	sadd.s32 $0x10, s4;
	v11 =	vsel vm3, $0x7, v15  }
0x34: {  	v7 =	vsel vm2, v7, v13;
	v55 =	vld [tilespmem:s25+$0x180];
	v54 =	vmov s4;
	s4 =	sadd.s32 $0x10, s4;
	v11 =	vadd.s32 v12, v11  }
0x35: {  	v53 =	vld [tilespmem:s7+$0x380];
	v56 =	vmov s4;
	vm3 =	vgt.f32 v6, v7;
	[tilespmem:s26+$0x400] =	vst v11;
	vm4 =	vgt.f32 v16, v10  }
0x36: {  	v6 =	vsel vm3, v6, v7;
	v7 =	vsel vm1, $0x1, v0;
	v57 =	vld [tilespmem:s25+$0x200];
	v10 =	vsel vm4, v16, v10  }
0x37: {  	vm1 =	vgt.f32 v9, v6;
	v7 =	vsel vm2, $0x2, v7;
	vm2 =	vgt.f32 v52, v10  }
0x38: {  	v6 =	vsel vm1, v9, v6;
	v58 =	vld [tilespmem:s25+$0x280];
	v7 =	vsel vm3, $0x3, v7;
	v8 =	vsel vm2, v52, v10  }
0x39: {  	vm3 =	vgt.f32 v5, v6;
	v7 =	vsel vm1, $0x4, v7;
	vm1 =	vgt.f32 v55, v8  }
0x3a: {  	v5 =	vsel vm3, v5, v6;
	v6 =	vsel vm3, $0x5, v7;
	v7 =	vld [tilespmem:s25+$0x300];
	v8 =	vsel vm1, v55, v8  }
0x3b: {  	v60 =	vshll.u32 v54, $0x3;
	v59 =	vsel vm4, $0x1, v0;
	vm15 =	vgt.f32 v57, v8  }
0x3c: {  	v61 =	vld [tilespmem:s25+$0x380];
	vm3 =	vgt.f32 v51, v5;
	v10 =	vsel vm2, $0x2, v59;
	v8 =	vsel vm15, v57, v8  }
0x3d: {  	v5 =	vsel vm3, v51, v5;
	v6 =	vsel vm3, $0x6, v6;
	vm2 =	vgt.f32 v58, v8  }
0x3e: {  	vm3 =	vgt.f32 v53, v5;
	v5 =	vsel vm1, $0x3, v10;
	v8 =	vsel vm2, v58, v8  }
0x3f: {  	v62 =	vor.u32 v1, v60;
	v5 =	vsel vm15, $0x4, v5;
	vm1 =	vgt.f32 v7, v8  }
0x40: {  	v63 =	vshll.u32 v56, $0x3;
	v5 =	vsel vm2, $0x5, v5;
	v7 =	vsel vm1, v7, v8  }
0x41: {  	v6 =	vsel vm3, $0x7, v6;
	v5 =	vsel vm1, $0x6, v5;
	vm1 =	vgt.f32 v61, v7  }
0x42: {  	v6 =	vadd.s32 v62, v6;
	v7 =	vor.u32 v1, v63;
	v5 =	vsel vm1, $0x7, v5  }
0x43: {  	[tilespmem:s7+$0x400] =	vst v6;
	v5 =	vadd.s32 v7, v5  }
0x44: {  	[tilespmem:s25+$0x400] =	vst v5  }
0x45: {  	v5 =	vld [tilespmem:$0x400];
	_ =	sdelay $0x4  }
0x46: {  	v6 =	vshll.u32 v5, $0x3  }
0x47: {  	v5 =	vand.u32 $0x7, v5;
	v6 =	vand.u32 $0xFFFFFFC0, v6  }
0x48: {  	v5 =	vor.u32 v5, v6  }
0x49: {  	v6 =	vperm.xlane v5, v2;
	_ =	sdelay $0x1  }
0x4a: {  	v6 =	vadd.s32 v3, v6;
	_ =	sdelay $0x4  }
0x4b: {  	[tilespmem:s28], [sflag:$0x1] =	stream.indirect_vreg.gather [hbm4b:s2+s3], $0x80, v6, vm0, $0xb8;
	[tilespmem:$0x10480] =	vst v63  }
0x4c: {  	s7 =	simm.s32 $0xC80;
	v5 =	vperm.xlane v5, v4  }
0x4d: {  	[tilespmem:s7], [sflag:$0x1] =	stream.indirect_vreg.gather [hbm4b:s6+s3], $0x80, v6, vm0, $0xb8;
	[tilespmem:$0x10480] =	vst v63  }
0x4e: {  	s25 =	simm.s32 $0x1480;
	v5 =	vadd.s32 v3, v5  }
0x4f: {  	[tilespmem:s25], [sflag:$0x1] =	stream.indirect_vreg.gather [hbm4b:s8+s3], $0x80, v6, vm0, $0xb8;
	[tilespmem:$0x10480] =	vst v63  }
0x50: {  	s26 =	simm.s32 $0x1C80  }
0x51: {  	[tilespmem:s26], [sflag:$0x1] =	stream.indirect_vreg.gather [hbm4b:s9+s3], $0x80, v6, vm0, $0xb8;
	[tilespmem:$0x10480] =	vst v63  }
0x52: {  	s29 =	simm.s32 $0x2480  }
0x53: {  	[tilespmem:s29], [sflag:$0x1] =	stream.indirect_vreg.gather [hbm4b:s2+s3], $0x80, v5, vm0, $0xb8;
	[tilespmem:$0x10480] =	vst v63  }
0x54: {  	_ = 	snop  }
0x55: {  	[tilespmem:s30], [sflag:$0x1] =	stream.indirect_vreg.gather [hbm4b:s6+s3], $0x80, v5, vm0, $0xb8;
	[tilespmem:$0x10480] =	vst v63  }
0x56: {  	_ = 	snop  }
0x57: {  	[tilespmem:s31], [sflag:$0x1] =	stream.indirect_vreg.gather [hbm4b:s8+s3], $0x80, v5, vm0, $0xb8;
	[tilespmem:$0x10480] =	vst v63  }
0x58: {  	s0 =	simm.s32 $0x3C80  }
0x59: {  	[tilespmem:s0], [sflag:$0x1] =	stream.indirect_vreg.gather [hbm4b:s9+s3], $0x80, v5, vm0, $0xb8;
	[tilespmem:$0x10480] =	vst v63  }
0x5a: {  	v5 =	vld [tilespmem:$0x410];
	_ =	sdelay $0x4  }
0x5b: {  	v6 =	vshll.u32 v5, $0x3  }
0x5c: {  	v5 =	vand.u32 $0x7, v5;
	v6 =	vand.u32 $0xFFFFFFC0, v6  }
0x5d: {  	v5 =	vor.u32 v5, v6  }
0x5e: {  	v6 =	vperm.xlane v5, v2;
	_ =	sdelay $0x1  }
0x5f: {  	v6 =	vadd.s32 v3, v6;
	_ =	sdelay $0x3  }
0x60: {  	s1 =	simm.s32 $0x4480  }
0x61: {  	[tilespmem:s1], [sflag:$0x1] =	stream.indirect_vreg.gather [hbm4b:s2+s3], $0x80, v6, vm0, $0xb8;
	[tilespmem:$0x10480] =	vst v63  }
0x62: {  	v5 =	vperm.xlane v5, v4  }
0x63: {  	[tilespmem:s5], [sflag:$0x1] =	stream.indirect_vreg.gather [hbm4b:s6+s3], $0x80, v6, vm0, $0xb8;
	[tilespmem:$0x10480] =	vst v63  }
0x64: {  	v5 =	vadd.s32 v3, v5  }
0x65: {  	[tilespmem:s14], [sflag:$0x1] =	stream.indirect_vreg.gather [hbm4b:s8+s3], $0x80, v6, vm0, $0xb8;
	[tilespmem:$0x10480] =	vst v63  }
0x66: {  	_ = 	snop  }
0x67: {  	[tilespmem:s15], [sflag:$0x1] =	stream.indirect_vreg.gather [hbm4b:s9+s3], $0x80, v6, vm0, $0xb8;
	[tilespmem:$0x10480] =	vst v63  }
0x68: {  	_ = 	snop  }
0x69: {  	[tilespmem:s10], [sflag:$0x1] =	stream.indirect_vreg.gather [hbm4b:s2+s3], $0x80, v5, vm0, $0xb8;
	[tilespmem:$0x10480] =	vst v63  }
0x6a: {  	_ = 	snop  }
0x6b: {  	[tilespmem:s16], [sflag:$0x1] =	stream.indirect_vreg.gather [hbm4b:s6+s3], $0x80, v5, vm0, $0xb8;
	[tilespmem:$0x10480] =	vst v63  }
0x6c: {  	_ = 	snop  }
0x6d: {  	[tilespmem:s11], [sflag:$0x1] =	stream.indirect_vreg.gather [hbm4b:s8+s3], $0x80, v5, vm0, $0xb8;
	[tilespmem:$0x10480] =	vst v63  }
0x6e: {  	_ = 	snop  }
0x6f: {  	[tilespmem:s17], [sflag:$0x1] =	stream.indirect_vreg.gather [hbm4b:s9+s3], $0x80, v5, vm0, $0xb8;
	[tilespmem:$0x10480] =	vst v63  }
0x70: {  	v5 =	vld [tilespmem:$0x420];
	_ =	sdelay $0x4  }
0x71: {  	v6 =	vshll.u32 v5, $0x3  }
0x72: {  	v5 =	vand.u32 $0x7, v5;
	v6 =	vand.u32 $0xFFFFFFC0, v6  }
0x73: {  	v5 =	vor.u32 v5, v6  }
0x74: {  	v6 =	vperm.xlane v5, v2;
	_ =	sdelay $0x1  }
0x75: {  	v6 =	vadd.s32 v3, v6;
	_ =	sdelay $0x4  }
0x76: {  	[tilespmem:s18], [sflag:$0x1] =	stream.indirect_vreg.gather [hbm4b:s2+s3], $0x80, v6, vm0, $0xb8;
	[tilespmem:$0x10480] =	vst v63  }
0x77: {  	v5 =	vperm.xlane v5, v4  }
0x78: {  	[tilespmem:s19], [sflag:$0x1] =	stream.indirect_vreg.gather [hbm4b:s6+s3], $0x80, v6, vm0, $0xb8;
	[tilespmem:$0x10480] =	vst v63  }
0x79: {  	v5 =	vadd.s32 v3, v5  }
0x7a: {  	[tilespmem:s20], [sflag:$0x1] =	stream.indirect_vreg.gather [hbm4b:s8+s3], $0x80, v6, vm0, $0xb8;
	[tilespmem:$0x10480] =	vst v63  }
0x7b: {  	_ = 	snop  }
0x7c: {  	[tilespmem:s21], [sflag:$0x1] =	stream.indirect_vreg.gather [hbm4b:s9+s3], $0x80, v6, vm0, $0xb8;
	[tilespmem:$0x10480] =	vst v63  }
0x7d: {  	_ = 	snop  }
0x7e: {  	[tilespmem:s22], [sflag:$0x1] =	stream.indirect_vreg.gather [hbm4b:s2+s3], $0x80, v5, vm0, $0xb8;
	[tilespmem:$0x10480] =	vst v63  }
0x7f: {  	_ = 	snop  }
0x80: {  	[tilespmem:s13], [sflag:$0x1] =	stream.indirect_vreg.gather [hbm4b:s6+s3], $0x80, v5, vm0, $0xb8;
	[tilespmem:$0x10480] =	vst v63  }
0x81: {  	_ = 	snop  }
0x82: {  	[tilespmem:s23], [sflag:$0x1] =	stream.indirect_vreg.gather [hbm4b:s8+s3], $0x80, v5, vm0, $0xb8;
	[tilespmem:$0x10480] =	vst v63  }
0x83: {  	_ = 	snop  }
0x84: {  	[tilespmem:s12], [sflag:$0x1] =	stream.indirect_vreg.gather [hbm4b:s9+s3], $0x80, v5, vm0, $0xb8;
	[tilespmem:$0x10480] =	vst v63  }
0x85: {  	v5 =	vld [tilespmem:$0x430];
	_ =	sdelay $0x4  }
0x86: {  	v6 =	vshll.u32 v5, $0x3  }
0x87: {  	v5 =	vand.u32 $0x7, v5;
	v6 =	vand.u32 $0xFFFFFFC0, v6  }
0x88: {  	v5 =	vor.u32 v5, v6  }
0x89: {  	v6 =	vperm.xlane v5, v2;
	_ =	sdelay $0x1  }
0x8a: {  	v6 =	vadd.s32 v3, v6;
	_ =	sdelay $0x3  }
0x8b: {  	s4 =	simm.s32 $0xC480  }
0x8c: {  	[tilespmem:s4], [sflag:$0x1] =	stream.indirect_vreg.gather [hbm4b:s2+s3], $0x80, v6, vm0, $0xb8;
	[tilespmem:$0x10480] =	vst v63  }
0x8d: {  	v5 =	vperm.xlane v5, v4;
	s4 =	simm.s32 $0xCC80  }
0x8e: {  	[tilespmem:s4], [sflag:$0x1] =	stream.indirect_vreg.gather [hbm4b:s6+s3], $0x80, v6, vm0, $0xb8;
	[tilespmem:$0x10480] =	vst v63  }
0x8f: {  	v5 =	vadd.s32 v3, v5;
	s4 =	simm.s32 $0xD480  }
0x90: {  	[tilespmem:s4], [sflag:$0x1] =	stream.indirect_vreg.gather [hbm4b:s8+s3], $0x80, v6, vm0, $0xb8;
	[tilespmem:$0x10480] =	vst v63  }
0x91: {  	s4 =	simm.s32 $0xDC80  }
0x92: {  	[tilespmem:s4], [sflag:$0x1] =	stream.indirect_vreg.gather [hbm4b:s9+s3], $0x80, v6, vm0, $0xb8;
	[tilespmem:$0x10480] =	vst v63  }
0x93: {  	s4 =	simm.s32 $0xE480  }
0x94: {  	[tilespmem:s4], [sflag:$0x1] =	stream.indirect_vreg.gather [hbm4b:s2+s3], $0x80, v5, vm0, $0xb8;
	[tilespmem:$0x10480] =	vst v63  }
0x95: {  	s4 =	simm.s32 $0xEC80  }
0x96: {  	[tilespmem:s4], [sflag:$0x1] =	stream.indirect_vreg.gather [hbm4b:s6+s3], $0x80, v5, vm0, $0xb8;
	[tilespmem:$0x10480] =	vst v63  }
0x97: {  	s4 =	simm.s32 $0xF480  }
0x98: {  	[tilespmem:s4], [sflag:$0x1] =	stream.indirect_vreg.gather [hbm4b:s8+s3], $0x80, v5, vm0, $0xb8;
	[tilespmem:$0x10480] =	vst v63  }
0x99: {  	s1 =	simm.s32 $0x1;
	s4 =	simm.s32 $0xFC80  }
0x9a: {  	[tilespmem:s4], [sflag:$0x1] =	stream.indirect_vreg.gather [hbm4b:s9+s3], $0x80, v5, vm0, $0xb8;
	[tilespmem:$0x10480] =	vst v63  }
0x9b: {  	_ =	swait.ge [sflag:s1], $0x10000  }
0x9c: {  	[sflag:s1] =	ssyncset.done $0x0  }
0x9d: {  	[sflag:s1] =	ssyncadd.s32 $0xFFFF0000;
	s1 =	rddreg [dreg:$0x5]  }
0x9e: {  	[hbm4b:s1+s3] =	stream.linear.scatter [tilespmem:s28], [sflag:$0x2], $0x10000, $0x38;
	[tilespmem:$0x10480] =	vst v63  }
0x9f: {  	s1 =	simm.s32 $0x2  }
0xa0: {  	_ =	swait.ge [sflag:s1], $0x10000  }
0xa1: {  	[sflag:s1] =	ssyncset.done $0x0  }
0xa2: {  	[sflag:s1] =	ssyncadd.s32 $0xFFFF0000  }
0xa3: {  	v5 =	vld [tilespmem:$0x440];
	_ =	sdelay $0x4  }
0xa4: {  	v6 =	vshll.u32 v5, $0x3  }
0xa5: {  	v5 =	vand.u32 $0x7, v5;
	v6 =	vand.u32 $0xFFFFFFC0, v6  }
0xa6: {  	v5 =	vor.u32 v5, v6  }
0xa7: {  	v6 =	vperm.xlane v5, v2;
	_ =	sdelay $0x1  }
0xa8: {  	v6 =	vadd.s32 v3, v6;
	_ =	sdelay $0x4  }
0xa9: {  	[tilespmem:s28], [sflag:$0x1] =	stream.indirect_vreg.gather [hbm4b:s2+s3], $0x80, v6, vm0, $0xb8;
	[tilespmem:$0x10480] =	vst v63  }
0xaa: {  	v5 =	vperm.xlane v5, v4  }
0xab: {  	[tilespmem:s7], [sflag:$0x1] =	stream.indirect_vreg.gather [hbm4b:s6+s3], $0x80, v6, vm0, $0xb8;
	[tilespmem:$0x10480] =	vst v63  }
0xac: {  	v5 =	vadd.s32 v3, v5  }
0xad: {  	[tilespmem:s25], [sflag:$0x1] =	stream.indirect_vreg.gather [hbm4b:s8+s3], $0x80, v6, vm0, $0xb8;
	[tilespmem:$0x10480] =	vst v63  }
0xae: {  	_ = 	snop  }
0xaf: {  	[tilespmem:s26], [sflag:$0x1] =	stream.indirect_vreg.gather [hbm4b:s9+s3], $0x80, v6, vm0, $0xb8;
	[tilespmem:$0x10480] =	vst v63  }
0xb0: {  	_ = 	snop  }
0xb1: {  	[tilespmem:s29], [sflag:$0x1] =	stream.indirect_vreg.gather [hbm4b:s2+s3], $0x80, v5, vm0, $0xb8;
	[tilespmem:$0x10480] =	vst v63  }
0xb2: {  	_ = 	snop  }
0xb3: {  	[tilespmem:s30], [sflag:$0x1] =	stream.indirect_vreg.gather [hbm4b:s6+s3], $0x80, v5, vm0, $0xb8;
	[tilespmem:$0x10480] =	vst v63  }
0xb4: {  	_ = 	snop  }
0xb5: {  	[tilespmem:s31], [sflag:$0x1] =	stream.indirect_vreg.gather [hbm4b:s8+s3], $0x80, v5, vm0, $0xb8;
	[tilespmem:$0x10480] =	vst v63  }
0xb6: {  	_ = 	snop  }
0xb7: {  	[tilespmem:s0], [sflag:$0x1] =	stream.indirect_vreg.gather [hbm4b:s9+s3], $0x80, v5, vm0, $0xb8;
	[tilespmem:$0x10480] =	vst v63  }
0xb8: {  	v5 =	vld [tilespmem:$0x450];
	_ =	sdelay $0x4  }
0xb9: {  	v6 =	vshll.u32 v5, $0x3  }
0xba: {  	v5 =	vand.u32 $0x7, v5;
	v6 =	vand.u32 $0xFFFFFFC0, v6  }
0xbb: {  	v5 =	vor.u32 v5, v6  }
0xbc: {  	v6 =	vperm.xlane v5, v2;
	_ =	sdelay $0x1  }
0xbd: {  	v6 =	vadd.s32 v3, v6;
	_ =	sdelay $0x3  }
0xbe: {  	s25 =	simm.s32 $0x4480  }
0xbf: {  	[tilespmem:s25], [sflag:$0x1] =	stream.indirect_vreg.gather [hbm4b:s2+s3], $0x80, v6, vm0, $0xb8;
	[tilespmem:$0x10480] =	vst v63  }
0xc0: {  	v5 =	vperm.xlane v5, v4  }
0xc1: {  	[tilespmem:s5], [sflag:$0x1] =	stream.indirect_vreg.gather [hbm4b:s6+s3], $0x80, v6, vm0, $0xb8;
	[tilespmem:$0x10480] =	vst v63  }
0xc2: {  	v5 =	vadd.s32 v3, v5  }
0xc3: {  	[tilespmem:s14], [sflag:$0x1] =	stream.indirect_vreg.gather [hbm4b:s8+s3], $0x80, v6, vm0, $0xb8;
	[tilespmem:$0x10480] =	vst v63  }
0xc4: {  	_ = 	snop  }
0xc5: {  	[tilespmem:s15], [sflag:$0x1] =	stream.indirect_vreg.gather [hbm4b:s9+s3], $0x80, v6, vm0, $0xb8;
	[tilespmem:$0x10480] =	vst v63  }
0xc6: {  	_ = 	snop  }
0xc7: {  	[tilespmem:s10], [sflag:$0x1] =	stream.indirect_vreg.gather [hbm4b:s2+s3], $0x80, v5, vm0, $0xb8;
	[tilespmem:$0x10480] =	vst v63  }
0xc8: {  	_ = 	snop  }
0xc9: {  	[tilespmem:s16], [sflag:$0x1] =	stream.indirect_vreg.gather [hbm4b:s6+s3], $0x80, v5, vm0, $0xb8;
	[tilespmem:$0x10480] =	vst v63  }
0xca: {  	_ = 	snop  }
0xcb: {  	[tilespmem:s11], [sflag:$0x1] =	stream.indirect_vreg.gather [hbm4b:s8+s3], $0x80, v5, vm0, $0xb8;
	[tilespmem:$0x10480] =	vst v63  }
0xcc: {  	_ = 	snop  }
0xcd: {  	[tilespmem:s17], [sflag:$0x1] =	stream.indirect_vreg.gather [hbm4b:s9+s3], $0x80, v5, vm0, $0xb8;
	[tilespmem:$0x10480] =	vst v63  }
0xce: {  	v5 =	vld [tilespmem:$0x460];
	_ =	sdelay $0x4  }
0xcf: {  	v6 =	vshll.u32 v5, $0x3  }
0xd0: {  	v5 =	vand.u32 $0x7, v5;
	v6 =	vand.u32 $0xFFFFFFC0, v6  }
0xd1: {  	v5 =	vor.u32 v5, v6  }
0xd2: {  	v6 =	vperm.xlane v5, v2;
	_ =	sdelay $0x1  }
0xd3: {  	v6 =	vadd.s32 v3, v6;
	_ =	sdelay $0x4  }
0xd4: {  	[tilespmem:s18], [sflag:$0x1] =	stream.indirect_vreg.gather [hbm4b:s2+s3], $0x80, v6, vm0, $0xb8;
	[tilespmem:$0x10480] =	vst v63  }
0xd5: {  	v5 =	vperm.xlane v5, v4  }
0xd6: {  	[tilespmem:s19], [sflag:$0x1] =	stream.indirect_vreg.gather [hbm4b:s6+s3], $0x80, v6, vm0, $0xb8;
	[tilespmem:$0x10480] =	vst v63  }
0xd7: {  	v5 =	vadd.s32 v3, v5  }
0xd8: {  	[tilespmem:s20], [sflag:$0x1] =	stream.indirect_vreg.gather [hbm4b:s8+s3], $0x80, v6, vm0, $0xb8;
	[tilespmem:$0x10480] =	vst v63  }
0xd9: {  	_ = 	snop  }
0xda: {  	[tilespmem:s21], [sflag:$0x1] =	stream.indirect_vreg.gather [hbm4b:s9+s3], $0x80, v6, vm0, $0xb8;
	[tilespmem:$0x10480] =	vst v63  }
0xdb: {  	_ = 	snop  }
0xdc: {  	[tilespmem:s22], [sflag:$0x1] =	stream.indirect_vreg.gather [hbm4b:s2+s3], $0x80, v5, vm0, $0xb8;
	[tilespmem:$0x10480] =	vst v63  }
0xdd: {  	_ = 	snop  }
0xde: {  	[tilespmem:s13], [sflag:$0x1] =	stream.indirect_vreg.gather [hbm4b:s6+s3], $0x80, v5, vm0, $0xb8;
	[tilespmem:$0x10480] =	vst v63  }
0xdf: {  	_ = 	snop  }
0xe0: {  	[tilespmem:s23], [sflag:$0x1] =	stream.indirect_vreg.gather [hbm4b:s8+s3], $0x80, v5, vm0, $0xb8;
	[tilespmem:$0x10480] =	vst v63  }
0xe1: {  	_ = 	snop  }
0xe2: {  	[tilespmem:s12], [sflag:$0x1] =	stream.indirect_vreg.gather [hbm4b:s9+s3], $0x80, v5, vm0, $0xb8;
	[tilespmem:$0x10480] =	vst v63  }
0xe3: {  	v5 =	vld [tilespmem:$0x470];
	_ =	sdelay $0x4  }
0xe4: {  	v6 =	vshll.u32 v5, $0x3  }
0xe5: {  	v5 =	vand.u32 $0x7, v5;
	v6 =	vand.u32 $0xFFFFFFC0, v6  }
0xe6: {  	v5 =	vor.u32 v5, v6  }
0xe7: {  	v6 =	vperm.xlane v5, v2;
	_ =	sdelay $0x1  }
0xe8: {  	v6 =	vadd.s32 v3, v6;
	_ =	sdelay $0x3  }
0xe9: {  	s26 =	simm.s32 $0xC480  }
0xea: {  	[tilespmem:s26], [sflag:$0x1] =	stream.indirect_vreg.gather [hbm4b:s2+s3], $0x80, v6, vm0, $0xb8;
	[tilespmem:$0x10480] =	vst v63  }
0xeb: {  	s29 =	simm.s32 $0xCC80;
	v5 =	vperm.xlane v5, v4  }
0xec: {  	[tilespmem:s29], [sflag:$0x1] =	stream.indirect_vreg.gather [hbm4b:s6+s3], $0x80, v6, vm0, $0xb8;
	[tilespmem:$0x10480] =	vst v63  }
0xed: {  	s7 =	simm.s32 $0xD480;
	v5 =	vadd.s32 v3, v5  }
0xee: {  	[tilespmem:s7], [sflag:$0x1] =	stream.indirect_vreg.gather [hbm4b:s8+s3], $0x80, v6, vm0, $0xb8;
	[tilespmem:$0x10480] =	vst v63  }
0xef: {  	s25 =	simm.s32 $0xDC80  }
0xf0: {  	[tilespmem:s25], [sflag:$0x1] =	stream.indirect_vreg.gather [hbm4b:s9+s3], $0x80, v6, vm0, $0xb8;
	[tilespmem:$0x10480] =	vst v63  }
0xf1: {  	s26 =	simm.s32 $0xE480  }
0xf2: {  	[tilespmem:s26], [sflag:$0x1] =	stream.indirect_vreg.gather [hbm4b:s2+s3], $0x80, v5, vm0, $0xb8;
	[tilespmem:$0x10480] =	vst v63  }
0xf3: {  	s29 =	simm.s32 $0xEC80  }
0xf4: {  	[tilespmem:s29], [sflag:$0x1] =	stream.indirect_vreg.gather [hbm4b:s6+s3], $0x80, v5, vm0, $0xb8;
	[tilespmem:$0x10480] =	vst v63  }
0xf5: {  	s7 =	simm.s32 $0xF480  }
0xf6: {  	[tilespmem:s7], [sflag:$0x1] =	stream.indirect_vreg.gather [hbm4b:s8+s3], $0x80, v5, vm0, $0xb8;
	[tilespmem:$0x10480] =	vst v63  }
0xf7: {  	s0 =	simm.s32 $0x1;
	s25 =	simm.s32 $0xFC80  }
0xf8: {  	[tilespmem:s25], [sflag:$0x1] =	stream.indirect_vreg.gather [hbm4b:s9+s3], $0x80, v5, vm0, $0xb8;
	[tilespmem:$0x10480] =	vst v63  }
0xf9: {  	_ =	swait.ge [sflag:s0], $0x10000  }
0xfa: {  	[sflag:s0] =	ssyncset.done $0x0  }
0xfb: {  	s26 =	rddreg [dreg:$0x6];
	[sflag:s0] =	ssyncadd.s32 $0xFFFF0000  }
0xfc: {  	[hbm4b:s26+s3] =	stream.linear.scatter [tilespmem:s28], [sflag:$0x2], $0x10000, $0x38;
	[tilespmem:$0x10480] =	vst v63  }
0xfd: {  	_ =	swait.ge [sflag:s1], $0x10000  }
0xfe: {  	s24 =	sadd.s32 $0x1, s24;
	s29 =	rddreg [dreg:$0x7]  }
0xff: {  	p0 =	sne.s32 s24, s29  }
.Ltmp1:
0x100: {  	_ = 	snop;
	(pc) =	sbr.rel @p0 .LBB2_1-.Ltmp1, $3  }
0x101: {  	_ =	sdelay $0x1  }
0x102: {  	[sflag:s1] =	ssyncset.done $0x0  }
0x103: {  	[sflag:s1] =	ssyncadd.s32 $0xFFFF0000  }
0x104: {  	_ =	sfence.sel $0x180000  }
0x105: {  	[bflag:$0x0] =	sbarrier.arrive $0xFFFF  }
0x106: {  	_ =	strace $0x90000047  }
0x107: {  	s0 =	stileid.u32;
	[bflag:$0x2] =	sbarrier.arrive $0xFFFF  }
0x108: {  	p0 =	sne.s32 s0, $0x0;
	s0 =	rddreg [dreg:$0x3]  }
0x109: {  	s0 =	sadd.s32 @!p0 $0x100000, s0  }
0x10a: {  	[sflag:s0] =	ssyncadd.tile.s32 @!p0 $0x1;
	_ =	shalt  }
.Lfunc_end2:
_tile_overlayer_lowered:
.L_overlay_start_2:
0x10b: {  	(tag) =	ssettag $0x2  }
0x10c: {  	s0 =	rddreg [dreg:$0x0];
	s2 =	stileid.u32  }
0x10d: {  	s1 =	rddreg [dreg:$0x1];
	p0 =	sne.s32 s2, $0x0  }
0x10e: {  	s3 =	rddreg [dreg:$0x2];
	[bflag:$0x3] =	sbarrier.arrive $0xFFFF;
	s2 =	simm.s32 @!p0 $0x1C03  }
0x10f: {  	[timem:s3], [sflag:s2] =	dma.local @!p0 [hbm:s0], s1  }
0x110: {  	s0 =	simm.s32 @!p0 $0x3  }
0x111: {  	_ =	swait.ge @!p0 [sflag:s0], s1  }
0x112: {  	s1 =	ssub.s32 @!p0 $0x0, s1;
	[sflag:s0] =	ssyncset.done @!p0 $0x0  }
0x113: {  	[sflag:s0] =	ssyncadd.s32 @!p0 s1  }
0x114: {  	[bflag:$0x3] =	sbarrier.arrive $0xFFFF  }
0x115: {  	_ =	shalt  }

</sc_bundles>
